<compile_context>
chip_gen: v7x
topology: tpu7x:2x2x1
jax: 0.10.2.dev20260603
libtpu: 0.0.44.dev20260713+nightly
codegen_flags: <defaults>
</compile_context>

<pallas_src>
import functools
import jax
import jax.numpy as jnp
from jax import lax
from jax.experimental import pallas as pl
from jax.experimental.pallas import tpu as pltpu
from jax.experimental.pallas import tpu_sc as plsc

_C, _H, _W = 768, 32, 32
_HW = _H * _W
_P = 32
_DIM = 384


def _peg_body(pe_x_ref, pe_y_ref, glb_ref, peg_ref, buf, row_buf, glb_buf):
    cid = lax.axis_index("c")
    sid = lax.axis_index("s")
    wid = sid * 2 + cid

    pltpu.sync_copy(pe_x_ref, buf.at[:, pl.ds(0, _DIM)])
    pltpu.sync_copy(pe_y_ref.at[wid], row_buf)

    rowv = [row_buf[pl.ds(16 * i, 16)] for i in range(_DIM // 16)]

    def fill(r, carry):
        for i in range(_DIM // 16):
            buf[r, pl.ds(_DIM + 16 * i, 16)] = rowv[i]
        return carry
    lax.fori_loop(0, _P, fill, 0)

    @pl.when(wid == 0)
    def _():
        pltpu.sync_copy(glb_ref, glb_buf)
        pltpu.sync_copy(glb_buf, peg_ref.at[pl.ds(0, 1)])

    pltpu.sync_copy(buf, peg_ref.at[pl.ds(1 + _P * wid, _P)])


def _peg_on_sc(pe_x_table, pe_y_table, glb_table):
    mesh = plsc.VectorSubcoreMesh(core_axis_name="c", subcore_axis_name="s")
    k = functools.partial(
        pl.kernel,
        mesh=mesh,
        compiler_params=pltpu.CompilerParams(
            use_tc_tiling_on_sc=False, needs_layout_passes=False),
        out_type=jax.ShapeDtypeStruct((1 + _HW, _C), jnp.float32),
        scratch_types=[
            pltpu.VMEM((_P, _C), jnp.float32),
            pltpu.VMEM((_DIM,), jnp.float32),
            pltpu.VMEM((1, _C), jnp.float32),
        ],
    )(_peg_body)
    return k(pe_x_table, pe_y_table, glb_table)


def _dense_body(feats_ref, peg_ref, out_ref):
    x = feats_ref[0]
    xt = jnp.transpose(x, (1, 0))
    out_ref[0, 1:, :] = xt + peg_ref[1:, :]
    out_ref[0, 0:1, :] = peg_ref[0:1, :]


def kernel(feats, pe_x_table, pe_y_table, glb_table):
    b, c, h, w = feats.shape
    hw = h * w
    feats2 = feats.reshape(b, c, hw)

    peg = _peg_on_sc(pe_x_table, pe_y_table, glb_table)

    out = pl.pallas_call(
        _dense_body,
        grid=(b,),
        in_specs=[
            pl.BlockSpec((1, c, hw), lambda i: (i, 0, 0)),
            pl.BlockSpec((1 + hw, c), lambda i: (0, 0)),
        ],
        out_specs=pl.BlockSpec((1, 1 + hw, c), lambda i: (i, 0, 0)),
        out_shape=jax.ShapeDtypeStruct((b, 1 + hw, c), feats.dtype),
    )(feats2, peg)
    return out

# --- scband reference (transcript-rebuilt; emitter-appended) ---
"""Pipeline reference for scband-positional-encoding-27427661152541 (READ-ONLY COPY).

The authoritative reference and input builder live on the scoring server;
editing this copy changes nothing except your own understanding.
"""

import jax, jax.numpy as jnp
import numpy as np


def setup_inputs(seed: int = 0) -> dict:
    key = jax.random.key(seed)
    k1, k2, k3, k4 = jax.random.split(key, 4)
    feats = jax.random.normal(k1, (32, 768, 32, 32), dtype=jnp.float32)
    # PosEmbedLearned: pe_x = Embedding(w=32, d_model//2=384), pe_y = Embedding(h=32, 384)
    pe_x_table = jax.random.normal(k2, (32, 384), dtype=jnp.float32) * 0.02
    pe_y_table = jax.random.normal(k3, (32, 384), dtype=jnp.float32) * 0.02
    # glb_embed: Embedding(1, d_model=768)
    glb_table = jax.random.normal(k4, (1, 768), dtype=jnp.float32) * 0.02
    return {"feats": feats, "pe_x_table": pe_x_table, "pe_y_table": pe_y_table, "glb_table": glb_table}


def reference(feats, pe_x_table, pe_y_table, glb_table):
    b, c, h, w = feats.shape
    dim = pe_x_table.shape[1]
    # embedding lookups via arange indices (gather)
    pe_x = jnp.take(pe_x_table, jnp.arange(w), axis=0)  # [w, dim]
    pe_y = jnp.take(pe_y_table, jnp.arange(h), axis=0)  # [h, dim]
    # repeat to [b, h, w, dim] each, then concat on channel
    pe_x_b = jnp.broadcast_to(pe_x[None, None, :, :], (b, h, w, dim))
    pe_y_b = jnp.broadcast_to(pe_y[None, :, None, :], (b, h, w, dim))
    pe = jnp.concatenate([pe_x_b, pe_y_b], axis=-1)  # [b, h, w, c]
    pe = pe.reshape(b, h * w, c)  # rearrange 'b h w c -> b (h w) c'
    # rearrange feats 'b c h w -> b (h w) c'
    token = jnp.transpose(feats, (0, 2, 3, 1)).reshape(b, h * w, c)
    seq = token + pe
    # global token: glb_embed(0) -> [1,1,c] repeated to [b,1,c]
    glb = jnp.take(glb_table, jnp.array([0]), axis=0).reshape(1, 1, c)
    glb_rep = jnp.broadcast_to(glb, (b, 1, c))
    return jnp.concatenate([glb_rep, seq], axis=1)  # [b, 1 + h*w, c]

if __name__ == "__main__":
    import jax
    _d = setup_inputs()
    print(jax.jit(kernel)(*tuple(_d.values())))

</pallas_src>

<mosaic_0001>
#map = affine_map<(d0, d1) -> (0, 0)>
module attributes {stable_mosaic.version = 14 : i64} {
  func.func @_peg_body(%arg0: i32, %arg1: i32, %arg2: memref<32x384xf32, #tpu.memory_space<hbm>>, %arg3: memref<32x384xf32, #tpu.memory_space<hbm>>, %arg4: memref<1x768xf32, #tpu.memory_space<hbm>>, %arg5: memref<1025x768xf32, #tpu.memory_space<hbm>>, %arg6: memref<32x768xf32, #tpu.memory_space<vmem>>, %arg7: memref<384xf32, #tpu.memory_space<vmem>>, %arg8: memref<1x768xf32, #tpu.memory_space<vmem>>) attributes {dimension_semantics = [#tpu.dimension_semantics<core_parallel>, #tpu.dimension_semantics<subcore_parallel>], iteration_bounds = array<i64: 2, 16>, scalar_prefetch = 0 : i64, scratch_operands = 3 : i64, tpu.core_type = #tpu.core_type<sc_vector_subcore>, window_params = [{transform_indices = #map}, {transform_indices = #map}, {transform_indices = #map}, {transform_indices = #map}]} {
    %mul3A = arith.constant 2 : i32
    %mul3A_0 = arith.muli %arg1, %mul3A : i32
    %add3A = arith.addi %mul3A_0, %arg0 : i32
    "tpu.region"() ({
      %run_scoped3A = tpu.sem_alloc : memref<!tpu.dma_semaphore, #tpu.memory_space<semaphore_mem>>
      %dma_start3A = arith.constant 0 : i32
      %dma_start3A_59 = arith.constant 0 : i32
      %dma_start3A_60 = tpu.memref_slice %arg6[%dma_start3A, %dma_start3A_59] : memref<32x768xf32, #tpu.memory_space<vmem>> -> memref<32x384xf32, #tpu.memory_space<vmem>>
      %dma_start3A_61 = arith.constant 0 : i32
      %dma_start3A_62 = arith.constant 0 : i32
      %dma_start3A_63 = tpu.memref_slice %arg6[%dma_start3A_61, %dma_start3A_62] : memref<32x768xf32, #tpu.memory_space<vmem>> -> memref<32x384xf32, #tpu.memory_space<vmem>>
      tpu.enqueue_dma source(%arg2 : memref<32x384xf32, #tpu.memory_space<hbm>>) target(%dma_start3A_63 : memref<32x384xf32, #tpu.memory_space<vmem>>) target_semaphore(%run_scoped3A : memref<!tpu.dma_semaphore, #tpu.memory_space<semaphore_mem>>)
      %dma_wait3A = arith.constant 0 : i32
      %dma_wait3A_64 = arith.constant 0 : i32
      %dma_wait3A_65 = tpu.memref_slice %arg6[%dma_wait3A, %dma_wait3A_64] : memref<32x768xf32, #tpu.memory_space<vmem>> -> memref<32x384xf32, #tpu.memory_space<vmem>>
      %dma_wait3A_66 = arith.constant 0 : i32
      %dma_wait3A_67 = arith.constant 0 : i32
      %dma_wait3A_68 = tpu.memref_slice %arg6[%dma_wait3A_66, %dma_wait3A_67] : memref<32x768xf32, #tpu.memory_space<vmem>> -> memref<32x384xf32, #tpu.memory_space<vmem>>
      tpu.wait_dma2 semaphore(%run_scoped3A : memref<!tpu.dma_semaphore, #tpu.memory_space<semaphore_mem>>) src(%arg2 : memref<32x384xf32, #tpu.memory_space<hbm>>) dst(%dma_wait3A_68 : memref<32x384xf32, #tpu.memory_space<vmem>>)
      tpu.yield
    }) : () -> ()
    "tpu.region"() ({
      %run_scoped3A = tpu.sem_alloc : memref<!tpu.dma_semaphore, #tpu.memory_space<semaphore_mem>>
      %dma_start3A = arith.constant 0 : i32
      %dma_start3A_59 = tpu.memref_slice %arg3[%add3A, %dma_start3A] : memref<32x384xf32, #tpu.memory_space<hbm>> -> memref<1x384xf32, #tpu.memory_space<hbm>>
      %dma_start3A_60 = tpu.memref_squeeze %dma_start3A_59 : memref<1x384xf32, #tpu.memory_space<hbm>> -> memref<384xf32, #tpu.memory_space<hbm>>
      %dma_start3A_61 = arith.constant 0 : i32
      %dma_start3A_62 = tpu.memref_slice %arg3[%add3A, %dma_start3A_61] : memref<32x384xf32, #tpu.memory_space<hbm>> -> memref<1x384xf32, #tpu.memory_space<hbm>>
      %dma_start3A_63 = tpu.memref_squeeze %dma_start3A_62 : memref<1x384xf32, #tpu.memory_space<hbm>> -> memref<384xf32, #tpu.memory_space<hbm>>
      tpu.enqueue_dma source(%dma_start3A_63 : memref<384xf32, #tpu.memory_space<hbm>>) target(%arg7 : memref<384xf32, #tpu.memory_space<vmem>>) target_semaphore(%run_scoped3A : memref<!tpu.dma_semaphore, #tpu.memory_space<semaphore_mem>>)
      %dma_wait3A = arith.constant 0 : i32
      %dma_wait3A_64 = tpu.memref_slice %arg3[%add3A, %dma_wait3A] : memref<32x384xf32, #tpu.memory_space<hbm>> -> memref<1x384xf32, #tpu.memory_space<hbm>>
      %dma_wait3A_65 = tpu.memref_squeeze %dma_wait3A_64 : memref<1x384xf32, #tpu.memory_space<hbm>> -> memref<384xf32, #tpu.memory_space<hbm>>
      %dma_wait3A_66 = arith.constant 0 : i32
      %dma_wait3A_67 = tpu.memref_slice %arg3[%add3A, %dma_wait3A_66] : memref<32x384xf32, #tpu.memory_space<hbm>> -> memref<1x384xf32, #tpu.memory_space<hbm>>
      %dma_wait3A_68 = tpu.memref_squeeze %dma_wait3A_67 : memref<1x384xf32, #tpu.memory_space<hbm>> -> memref<384xf32, #tpu.memory_space<hbm>>
      tpu.wait_dma2 semaphore(%run_scoped3A : memref<!tpu.dma_semaphore, #tpu.memory_space<semaphore_mem>>) src(%dma_wait3A_68 : memref<384xf32, #tpu.memory_space<hbm>>) dst(%arg7 : memref<384xf32, #tpu.memory_space<vmem>>)
      tpu.yield
    }) : () -> ()
    %get3A = arith.constant 0 : index
    %get3A_1 = tpu.vector_load %arg7[%get3A] {strides = array<i32>} : memref<384xf32, #tpu.memory_space<vmem>>, vector<16xf32>,
    %get3A_2 = arith.constant 16 : index
    %get3A_3 = tpu.vector_load %arg7[%get3A_2] {strides = array<i32>} : memref<384xf32, #tpu.memory_space<vmem>>, vector<16xf32>,
    %get3A_4 = arith.constant 32 : index
    %get3A_5 = tpu.vector_load %arg7[%get3A_4] {strides = array<i32>} : memref<384xf32, #tpu.memory_space<vmem>>, vector<16xf32>,
    %get3A_6 = arith.constant 48 : index
    %get3A_7 = tpu.vector_load %arg7[%get3A_6] {strides = array<i32>} : memref<384xf32, #tpu.memory_space<vmem>>, vector<16xf32>,
    %get3A_8 = arith.constant 64 : index
    %get3A_9 = tpu.vector_load %arg7[%get3A_8] {strides = array<i32>} : memref<384xf32, #tpu.memory_space<vmem>>, vector<16xf32>,
    %get3A_10 = arith.constant 80 : index
    %get3A_11 = tpu.vector_load %arg7[%get3A_10] {strides = array<i32>} : memref<384xf32, #tpu.memory_space<vmem>>, vector<16xf32>,
    %get3A_12 = arith.constant 96 : index
    %get3A_13 = tpu.vector_load %arg7[%get3A_12] {strides = array<i32>} : memref<384xf32, #tpu.memory_space<vmem>>, vector<16xf32>,
    %get3A_14 = arith.constant 112 : index
    %get3A_15 = tpu.vector_load %arg7[%get3A_14] {strides = array<i32>} : memref<384xf32, #tpu.memory_space<vmem>>, vector<16xf32>,
    %get3A_16 = arith.constant 128 : index
    %get3A_17 = tpu.vector_load %arg7[%get3A_16] {strides = array<i32>} : memref<384xf32, #tpu.memory_space<vmem>>, vector<16xf32>,
    %get3A_18 = arith.constant 144 : index
    %get3A_19 = tpu.vector_load %arg7[%get3A_18] {strides = array<i32>} : memref<384xf32, #tpu.memory_space<vmem>>, vector<16xf32>,
    %get3A_20 = arith.constant 160 : index
    %get3A_21 = tpu.vector_load %arg7[%get3A_20] {strides = array<i32>} : memref<384xf32, #tpu.memory_space<vmem>>, vector<16xf32>,
    %get3A_22 = arith.constant 176 : index
    %get3A_23 = tpu.vector_load %arg7[%get3A_22] {strides = array<i32>} : memref<384xf32, #tpu.memory_space<vmem>>, vector<16xf32>,
    %get3A_24 = arith.constant 192 : index
    %get3A_25 = tpu.vector_load %arg7[%get3A_24] {strides = array<i32>} : memref<384xf32, #tpu.memory_space<vmem>>, vector<16xf32>,
    %get3A_26 = arith.constant 208 : index
    %get3A_27 = tpu.vector_load %arg7[%get3A_26] {strides = array<i32>} : memref<384xf32, #tpu.memory_space<vmem>>, vector<16xf32>,
    %get3A_28 = arith.constant 224 : index
    %get3A_29 = tpu.vector_load %arg7[%get3A_28] {strides = array<i32>} : memref<384xf32, #tpu.memory_space<vmem>>, vector<16xf32>,
    %get3A_30 = arith.constant 240 : index
    %get3A_31 = tpu.vector_load %arg7[%get3A_30] {strides = array<i32>} : memref<384xf32, #tpu.memory_space<vmem>>, vector<16xf32>,
    %get3A_32 = arith.constant 256 : index
    %get3A_33 = tpu.vector_load %arg7[%get3A_32] {strides = array<i32>} : memref<384xf32, #tpu.memory_space<vmem>>, vector<16xf32>,
    %get3A_34 = arith.constant 272 : index
    %get3A_35 = tpu.vector_load %arg7[%get3A_34] {strides = array<i32>} : memref<384xf32, #tpu.memory_space<vmem>>, vector<16xf32>,
    %get3A_36 = arith.constant 288 : index
    %get3A_37 = tpu.vector_load %arg7[%get3A_36] {strides = array<i32>} : memref<384xf32, #tpu.memory_space<vmem>>, vector<16xf32>,
    %get3A_38 = arith.constant 304 : index
    %get3A_39 = tpu.vector_load %arg7[%get3A_38] {strides = array<i32>} : memref<384xf32, #tpu.memory_space<vmem>>, vector<16xf32>,
    %get3A_40 = arith.constant 320 : index
    %get3A_41 = tpu.vector_load %arg7[%get3A_40] {strides = array<i32>} : memref<384xf32, #tpu.memory_space<vmem>>, vector<16xf32>,
    %get3A_42 = arith.constant 336 : index
    %get3A_43 = tpu.vector_load %arg7[%get3A_42] {strides = array<i32>} : memref<384xf32, #tpu.memory_space<vmem>>, vector<16xf32>,
    %get3A_44 = arith.constant 352 : index
    %get3A_45 = tpu.vector_load %arg7[%get3A_44] {strides = array<i32>} : memref<384xf32, #tpu.memory_space<vmem>>, vector<16xf32>,
    %get3A_46 = arith.constant 368 : index
    %get3A_47 = tpu.vector_load %arg7[%get3A_46] {strides = array<i32>} : memref<384xf32, #tpu.memory_space<vmem>>, vector<16xf32>,
    %scan3A = arith.constant 0 : i32
    %scan3A_48 = arith.constant 0 : i32
    %scan3A_49 = arith.constant 32 : i32
    %scan3A_50 = arith.addi %scan3A_48, %scan3A_49 : i32
    %scan3A_51 = arith.constant 1 : i32
    scf.for %scan3A_59 = %scan3A_48 to %scan3A_50 step %scan3A_51  : i32 {
      %swap3A = arith.index_cast %scan3A_59 : i32 to index
      %swap3A_60 = arith.constant 384 : index
      %swap3A_61 = tpu.vector_load %arg6[%swap3A, %swap3A_60] {strides = array<i32>} : memref<32x768xf32, #tpu.memory_space<vmem>>, vector<16xf32>,
      tpu.vector_store %arg6[%swap3A, %swap3A_60], %get3A_1 {strides = array<i32>} : memref<32x768xf32, #tpu.memory_space<vmem>>, vector<16xf32>,
      %swap3A_62 = arith.index_cast %scan3A_59 : i32 to index
      %swap3A_63 = arith.constant 400 : index
      %swap3A_64 = tpu.vector_load %arg6[%swap3A_62, %swap3A_63] {strides = array<i32>} : memref<32x768xf32, #tpu.memory_space<vmem>>, vector<16xf32>,
      tpu.vector_store %arg6[%swap3A_62, %swap3A_63], %get3A_3 {strides = array<i32>} : memref<32x768xf32, #tpu.memory_space<vmem>>, vector<16xf32>,
      %swap3A_65 = arith.index_cast %scan3A_59 : i32 to index
      %swap3A_66 = arith.constant 416 : index
      %swap3A_67 = tpu.vector_load %arg6[%swap3A_65, %swap3A_66] {strides = array<i32>} : memref<32x768xf32, #tpu.memory_space<vmem>>, vector<16xf32>,
      tpu.vector_store %arg6[%swap3A_65, %swap3A_66], %get3A_5 {strides = array<i32>} : memref<32x768xf32, #tpu.memory_space<vmem>>, vector<16xf32>,
      %swap3A_68 = arith.index_cast %scan3A_59 : i32 to index
      %swap3A_69 = arith.constant 432 : index
      %swap3A_70 = tpu.vector_load %arg6[%swap3A_68, %swap3A_69] {strides = array<i32>} : memref<32x768xf32, #tpu.memory_space<vmem>>, vector<16xf32>,
      tpu.vector_store %arg6[%swap3A_68, %swap3A_69], %get3A_7 {strides = array<i32>} : memref<32x768xf32, #tpu.memory_space<vmem>>, vector<16xf32>,
      %swap3A_71 = arith.index_cast %scan3A_59 : i32 to index
      %swap3A_72 = arith.constant 448 : index
      %swap3A_73 = tpu.vector_load %arg6[%swap3A_71, %swap3A_72] {strides = array<i32>} : memref<32x768xf32, #tpu.memory_space<vmem>>, vector<16xf32>,
      tpu.vector_store %arg6[%swap3A_71, %swap3A_72], %get3A_9 {strides = array<i32>} : memref<32x768xf32, #tpu.memory_space<vmem>>, vector<16xf32>,
      %swap3A_74 = arith.index_cast %scan3A_59 : i32 to index
      %swap3A_75 = arith.constant 464 : index
      %swap3A_76 = tpu.vector_load %arg6[%swap3A_74, %swap3A_75] {strides = array<i32>} : memref<32x768xf32, #tpu.memory_space<vmem>>, vector<16xf32>,
      tpu.vector_store %arg6[%swap3A_74, %swap3A_75], %get3A_11 {strides = array<i32>} : memref<32x768xf32, #tpu.memory_space<vmem>>, vector<16xf32>,
      %swap3A_77 = arith.index_cast %scan3A_59 : i32 to index
      %swap3A_78 = arith.constant 480 : index
      %swap3A_79 = tpu.vector_load %arg6[%swap3A_77, %swap3A_78] {strides = array<i32>} : memref<32x768xf32, #tpu.memory_space<vmem>>, vector<16xf32>,
      tpu.vector_store %arg6[%swap3A_77, %swap3A_78], %get3A_13 {strides = array<i32>} : memref<32x768xf32, #tpu.memory_space<vmem>>, vector<16xf32>,
      %swap3A_80 = arith.index_cast %scan3A_59 : i32 to index
      %swap3A_81 = arith.constant 496 : index
      %swap3A_82 = tpu.vector_load %arg6[%swap3A_80, %swap3A_81] {strides = array<i32>} : memref<32x768xf32, #tpu.memory_space<vmem>>, vector<16xf32>,
      tpu.vector_store %arg6[%swap3A_80, %swap3A_81], %get3A_15 {strides = array<i32>} : memref<32x768xf32, #tpu.memory_space<vmem>>, vector<16xf32>,
      %swap3A_83 = arith.index_cast %scan3A_59 : i32 to index
      %swap3A_84 = arith.constant 512 : index
      %swap3A_85 = tpu.vector_load %arg6[%swap3A_83, %swap3A_84] {strides = array<i32>} : memref<32x768xf32, #tpu.memory_space<vmem>>, vector<16xf32>,
      tpu.vector_store %arg6[%swap3A_83, %swap3A_84], %get3A_17 {strides = array<i32>} : memref<32x768xf32, #tpu.memory_space<vmem>>, vector<16xf32>,
      %swap3A_86 = arith.index_cast %scan3A_59 : i32 to index
      %swap3A_87 = arith.constant 528 : index
      %swap3A_88 = tpu.vector_load %arg6[%swap3A_86, %swap3A_87] {strides = array<i32>} : memref<32x768xf32, #tpu.memory_space<vmem>>, vector<16xf32>,
      tpu.vector_store %arg6[%swap3A_86, %swap3A_87], %get3A_19 {strides = array<i32>} : memref<32x768xf32, #tpu.memory_space<vmem>>, vector<16xf32>,
      %swap3A_89 = arith.index_cast %scan3A_59 : i32 to index
      %swap3A_90 = arith.constant 544 : index
      %swap3A_91 = tpu.vector_load %arg6[%swap3A_89, %swap3A_90] {strides = array<i32>} : memref<32x768xf32, #tpu.memory_space<vmem>>, vector<16xf32>,
      tpu.vector_store %arg6[%swap3A_89, %swap3A_90], %get3A_21 {strides = array<i32>} : memref<32x768xf32, #tpu.memory_space<vmem>>, vector<16xf32>,
      %swap3A_92 = arith.index_cast %scan3A_59 : i32 to index
      %swap3A_93 = arith.constant 560 : index
      %swap3A_94 = tpu.vector_load %arg6[%swap3A_92, %swap3A_93] {strides = array<i32>} : memref<32x768xf32, #tpu.memory_space<vmem>>, vector<16xf32>,
      tpu.vector_store %arg6[%swap3A_92, %swap3A_93], %get3A_23 {strides = array<i32>} : memref<32x768xf32, #tpu.memory_space<vmem>>, vector<16xf32>,
      %swap3A_95 = arith.index_cast %scan3A_59 : i32 to index
      %swap3A_96 = arith.constant 576 : index
      %swap3A_97 = tpu.vector_load %arg6[%swap3A_95, %swap3A_96] {strides = array<i32>} : memref<32x768xf32, #tpu.memory_space<vmem>>, vector<16xf32>,
      tpu.vector_store %arg6[%swap3A_95, %swap3A_96], %get3A_25 {strides = array<i32>} : memref<32x768xf32, #tpu.memory_space<vmem>>, vector<16xf32>,
      %swap3A_98 = arith.index_cast %scan3A_59 : i32 to index
      %swap3A_99 = arith.constant 592 : index
      %swap3A_100 = tpu.vector_load %arg6[%swap3A_98, %swap3A_99] {strides = array<i32>} : memref<32x768xf32, #tpu.memory_space<vmem>>, vector<16xf32>,
      tpu.vector_store %arg6[%swap3A_98, %swap3A_99], %get3A_27 {strides = array<i32>} : memref<32x768xf32, #tpu.memory_space<vmem>>, vector<16xf32>,
      %swap3A_101 = arith.index_cast %scan3A_59 : i32 to index
      %swap3A_102 = arith.constant 608 : index
      %swap3A_103 = tpu.vector_load %arg6[%swap3A_101, %swap3A_102] {strides = array<i32>} : memref<32x768xf32, #tpu.memory_space<vmem>>, vector<16xf32>,
      tpu.vector_store %arg6[%swap3A_101, %swap3A_102], %get3A_29 {strides = array<i32>} : memref<32x768xf32, #tpu.memory_space<vmem>>, vector<16xf32>,
      %swap3A_104 = arith.index_cast %scan3A_59 : i32 to index
      %swap3A_105 = arith.constant 624 : index
      %swap3A_106 = tpu.vector_load %arg6[%swap3A_104, %swap3A_105] {strides = array<i32>} : memref<32x768xf32, #tpu.memory_space<vmem>>, vector<16xf32>,
      tpu.vector_store %arg6[%swap3A_104, %swap3A_105], %get3A_31 {strides = array<i32>} : memref<32x768xf32, #tpu.memory_space<vmem>>, vector<16xf32>,
      %swap3A_107 = arith.index_cast %scan3A_59 : i32 to index
      %swap3A_108 = arith.constant 640 : index
      %swap3A_109 = tpu.vector_load %arg6[%swap3A_107, %swap3A_108] {strides = array<i32>} : memref<32x768xf32, #tpu.memory_space<vmem>>, vector<16xf32>,
      tpu.vector_store %arg6[%swap3A_107, %swap3A_108], %get3A_33 {strides = array<i32>} : memref<32x768xf32, #tpu.memory_space<vmem>>, vector<16xf32>,
      %swap3A_110 = arith.index_cast %scan3A_59 : i32 to index
      %swap3A_111 = arith.constant 656 : index
      %swap3A_112 = tpu.vector_load %arg6[%swap3A_110, %swap3A_111] {strides = array<i32>} : memref<32x768xf32, #tpu.memory_space<vmem>>, vector<16xf32>,
      tpu.vector_store %arg6[%swap3A_110, %swap3A_111], %get3A_35 {strides = array<i32>} : memref<32x768xf32, #tpu.memory_space<vmem>>, vector<16xf32>,
      %swap3A_113 = arith.index_cast %scan3A_59 : i32 to index
      %swap3A_114 = arith.constant 672 : index
      %swap3A_115 = tpu.vector_load %arg6[%swap3A_113, %swap3A_114] {strides = array<i32>} : memref<32x768xf32, #tpu.memory_space<vmem>>, vector<16xf32>,
      tpu.vector_store %arg6[%swap3A_113, %swap3A_114], %get3A_37 {strides = array<i32>} : memref<32x768xf32, #tpu.memory_space<vmem>>, vector<16xf32>,
      %swap3A_116 = arith.index_cast %scan3A_59 : i32 to index
      %swap3A_117 = arith.constant 688 : index
      %swap3A_118 = tpu.vector_load %arg6[%swap3A_116, %swap3A_117] {strides = array<i32>} : memref<32x768xf32, #tpu.memory_space<vmem>>, vector<16xf32>,
      tpu.vector_store %arg6[%swap3A_116, %swap3A_117], %get3A_39 {strides = array<i32>} : memref<32x768xf32, #tpu.memory_space<vmem>>, vector<16xf32>,
      %swap3A_119 = arith.index_cast %scan3A_59 : i32 to index
      %swap3A_120 = arith.constant 704 : index
      %swap3A_121 = tpu.vector_load %arg6[%swap3A_119, %swap3A_120] {strides = array<i32>} : memref<32x768xf32, #tpu.memory_space<vmem>>, vector<16xf32>,
      tpu.vector_store %arg6[%swap3A_119, %swap3A_120], %get3A_41 {strides = array<i32>} : memref<32x768xf32, #tpu.memory_space<vmem>>, vector<16xf32>,
      %swap3A_122 = arith.index_cast %scan3A_59 : i32 to index
      %swap3A_123 = arith.constant 720 : index
      %swap3A_124 = tpu.vector_load %arg6[%swap3A_122, %swap3A_123] {strides = array<i32>} : memref<32x768xf32, #tpu.memory_space<vmem>>, vector<16xf32>,
      tpu.vector_store %arg6[%swap3A_122, %swap3A_123], %get3A_43 {strides = array<i32>} : memref<32x768xf32, #tpu.memory_space<vmem>>, vector<16xf32>,
      %swap3A_125 = arith.index_cast %scan3A_59 : i32 to index
      %swap3A_126 = arith.constant 736 : index
      %swap3A_127 = tpu.vector_load %arg6[%swap3A_125, %swap3A_126] {strides = array<i32>} : memref<32x768xf32, #tpu.memory_space<vmem>>, vector<16xf32>,
      tpu.vector_store %arg6[%swap3A_125, %swap3A_126], %get3A_45 {strides = array<i32>} : memref<32x768xf32, #tpu.memory_space<vmem>>, vector<16xf32>,
      %swap3A_128 = arith.index_cast %scan3A_59 : i32 to index
      %swap3A_129 = arith.constant 752 : index
      %swap3A_130 = tpu.vector_load %arg6[%swap3A_128, %swap3A_129] {strides = array<i32>} : memref<32x768xf32, #tpu.memory_space<vmem>>, vector<16xf32>,
      tpu.vector_store %arg6[%swap3A_128, %swap3A_129], %get3A_47 {strides = array<i32>} : memref<32x768xf32, #tpu.memory_space<vmem>>, vector<16xf32>,
    }
    %scan3A_52 = arith.constant 32 : i32
    %eq3A = arith.constant 0 : i32
    %eq3A_53 = arith.cmpi eq, %add3A, %eq3A : i32
    %convert_element_type3A = arith.extui %eq3A_53 : i1 to i32
    %cond3A = arith.constant 0 : i32
    %cond3A_54 = arith.cmpi ne, %convert_element_type3A, %cond3A : i32
    scf.if %cond3A_54 {
      "tpu.region"() ({
        %run_scoped3A = tpu.sem_alloc : memref<!tpu.dma_semaphore, #tpu.memory_space<semaphore_mem>>
        tpu.enqueue_dma source(%arg4 : memref<1x768xf32, #tpu.memory_space<hbm>>) target(%arg8 : memref<1x768xf32, #tpu.memory_space<vmem>>) target_semaphore(%run_scoped3A : memref<!tpu.dma_semaphore, #tpu.memory_space<semaphore_mem>>)
        tpu.wait_dma2 semaphore(%run_scoped3A : memref<!tpu.dma_semaphore, #tpu.memory_space<semaphore_mem>>) src(%arg4 : memref<1x768xf32, #tpu.memory_space<hbm>>) dst(%arg8 : memref<1x768xf32, #tpu.memory_space<vmem>>)
        tpu.yield
      }) : () -> ()
      "tpu.region"() ({
        %run_scoped3A = tpu.sem_alloc : memref<!tpu.dma_semaphore, #tpu.memory_space<semaphore_mem>>
        %dma_start3A = arith.constant 0 : i32
        %dma_start3A_59 = arith.constant 0 : i32
        %dma_start3A_60 = tpu.memref_slice %arg5[%dma_start3A, %dma_start3A_59] : memref<1025x768xf32, #tpu.memory_space<hbm>> -> memref<1x768xf32, #tpu.memory_space<hbm>>
        %dma_start3A_61 = arith.constant 0 : i32
        %dma_start3A_62 = arith.constant 0 : i32
        %dma_start3A_63 = tpu.memref_slice %arg5[%dma_start3A_61, %dma_start3A_62] : memref<1025x768xf32, #tpu.memory_space<hbm>> -> memref<1x768xf32, #tpu.memory_space<hbm>>
        tpu.enqueue_dma source(%arg8 : memref<1x768xf32, #tpu.memory_space<vmem>>) target(%dma_start3A_63 : memref<1x768xf32, #tpu.memory_space<hbm>>) target_semaphore(%run_scoped3A : memref<!tpu.dma_semaphore, #tpu.memory_space<semaphore_mem>>)
        %dma_wait3A = arith.constant 0 : i32
        %dma_wait3A_64 = arith.constant 0 : i32
        %dma_wait3A_65 = tpu.memref_slice %arg5[%dma_wait3A, %dma_wait3A_64] : memref<1025x768xf32, #tpu.memory_space<hbm>> -> memref<1x768xf32, #tpu.memory_space<hbm>>
        %dma_wait3A_66 = arith.constant 0 : i32
        %dma_wait3A_67 = arith.constant 0 : i32
        %dma_wait3A_68 = tpu.memref_slice %arg5[%dma_wait3A_66, %dma_wait3A_67] : memref<1025x768xf32, #tpu.memory_space<hbm>> -> memref<1x768xf32, #tpu.memory_space<hbm>>
        tpu.wait_dma2 semaphore(%run_scoped3A : memref<!tpu.dma_semaphore, #tpu.memory_space<semaphore_mem>>) src(%arg8 : memref<1x768xf32, #tpu.memory_space<vmem>>) dst(%dma_wait3A_68 : memref<1x768xf32, #tpu.memory_space<hbm>>)
        tpu.yield
      }) : () -> ()
    } else {
    }
    %mul3A_55 = arith.constant 32 : i32
    %mul3A_56 = arith.muli %mul3A_55, %add3A : i32
    %add3A_57 = arith.constant 1 : i32
    %add3A_58 = arith.addi %add3A_57, %mul3A_56 : i32
    "tpu.region"() ({
      %run_scoped3A = tpu.sem_alloc : memref<!tpu.dma_semaphore, #tpu.memory_space<semaphore_mem>>
      %dma_start3A = arith.constant 0 : i32
      %dma_start3A_59 = tpu.memref_slice %arg5[%add3A_58, %dma_start3A] : memref<1025x768xf32, #tpu.memory_space<hbm>> -> memref<32x768xf32, #tpu.memory_space<hbm>>
      %dma_start3A_60 = arith.constant 0 : i32
      %dma_start3A_61 = tpu.memref_slice %arg5[%add3A_58, %dma_start3A_60] : memref<1025x768xf32, #tpu.memory_space<hbm>> -> memref<32x768xf32, #tpu.memory_space<hbm>>
      tpu.enqueue_dma source(%arg6 : memref<32x768xf32, #tpu.memory_space<vmem>>) target(%dma_start3A_61 : memref<32x768xf32, #tpu.memory_space<hbm>>) target_semaphore(%run_scoped3A : memref<!tpu.dma_semaphore, #tpu.memory_space<semaphore_mem>>)
      %dma_wait3A = arith.constant 0 : i32
      %dma_wait3A_62 = tpu.memref_slice %arg5[%add3A_58, %dma_wait3A] : memref<1025x768xf32, #tpu.memory_space<hbm>> -> memref<32x768xf32, #tpu.memory_space<hbm>>
      %dma_wait3A_63 = arith.constant 0 : i32
      %dma_wait3A_64 = tpu.memref_slice %arg5[%add3A_58, %dma_wait3A_63] : memref<1025x768xf32, #tpu.memory_space<hbm>> -> memref<32x768xf32, #tpu.memory_space<hbm>>
      tpu.wait_dma2 semaphore(%run_scoped3A : memref<!tpu.dma_semaphore, #tpu.memory_space<semaphore_mem>>) src(%arg6 : memref<32x768xf32, #tpu.memory_space<vmem>>) dst(%dma_wait3A_64 : memref<32x768xf32, #tpu.memory_space<hbm>>)
      tpu.yield
    }) : () -> ()
    return
  }
}

module attributes {stable_mosaic.version = 14 : i64} {
  func.func @_dense_body(%arg0: i32, %arg1: memref<1x768x1024xf32, #tpu.memory_space<vmem>>, %arg2: memref<1025x768xf32, #tpu.memory_space<vmem>>, %arg3: memref<1x1025x768xf32, #tpu.memory_space<vmem>>) attributes {dimension_semantics = [#tpu.dimension_semantics<arbitrary>], iteration_bounds = array<i64: 32>, scalar_prefetch = 0 : i64, scratch_operands = 0 : i64, tpu.core_type = #tpu.core_type<tc>, window_params = [{transform_indices = @transform_0, window_bounds = array<i64: 1, 768, 1024>}, {pipeline_mode = #tpu.pipeline_mode<synchronous>, transform_indices = @transform_1, window_bounds = array<i64: 1025, 768>}, {transform_indices = @transform_2, window_bounds = array<i64: 1, 1025, 768>}]} {
    %get3A = arith.constant 0 : index
    %get3A_0 = arith.constant 0 : index
    %get3A_1 = arith.constant 0 : index
    %get3A_2 = vector.load %arg1[%get3A, %get3A_0, %get3A_1] : memref<1x768x1024xf32, #tpu.memory_space<vmem>>, vector<1x768x1024xf32>
    %get3A_3 = vector.shape_cast %get3A_2 : vector<1x768x1024xf32> to vector<768x1024xf32>
    %transpose3A = tpu.transpose %get3A_3, [1, 0] : vector<768x1024xf32> -> vector<1024x768xf32>
    %get3A_4 = arith.constant 1 : index
    %get3A_5 = arith.constant 0 : index
    %get3A_6 = vector.load %arg2[%get3A_4, %get3A_5] : memref<1025x768xf32, #tpu.memory_space<vmem>>, vector<1024x768xf32>
    %add3A = arith.addf %transpose3A, %get3A_6 : vector<1024x768xf32>
    %swap3A = arith.constant 0 : index
    %swap3A_7 = arith.constant 1 : index
    %swap3A_8 = arith.constant 0 : index
    %swap3A_9 = vector.load %arg3[%swap3A, %swap3A_7, %swap3A_8] : memref<1x1025x768xf32, #tpu.memory_space<vmem>>, vector<1x1024x768xf32>
    %swap3A_10 = vector.shape_cast %swap3A_9 : vector<1x1024x768xf32> to vector<1024x768xf32>
    %swap3A_11 = vector.shape_cast %add3A : vector<1024x768xf32> to vector<1x1024x768xf32>
    tpu.vector_store %arg3[%swap3A, %swap3A_7, %swap3A_8], %swap3A_11 {strides = array<i32>} : memref<1x1025x768xf32, #tpu.memory_space<vmem>>, vector<1x1024x768xf32>,
    %get3A_12 = arith.constant 0 : index
    %get3A_13 = arith.constant 0 : index
    %get3A_14 = vector.load %arg2[%get3A_12, %get3A_13] : memref<1025x768xf32, #tpu.memory_space<vmem>>, vector<1x768xf32>
    %swap3A_15 = arith.constant 0 : index
    %swap3A_16 = arith.constant 0 : index
    %swap3A_17 = arith.constant 0 : index
    %swap3A_18 = vector.load %arg3[%swap3A_15, %swap3A_16, %swap3A_17] : memref<1x1025x768xf32, #tpu.memory_space<vmem>>, vector<1x1x768xf32>
    %swap3A_19 = vector.shape_cast %swap3A_18 : vector<1x1x768xf32> to vector<1x768xf32>
    %swap3A_20 = vector.shape_cast %get3A_14 : vector<1x768xf32> to vector<1x1x768xf32>
    tpu.vector_store %arg3[%swap3A_15, %swap3A_16, %swap3A_17], %swap3A_20 {strides = array<i32>} : memref<1x1025x768xf32, #tpu.memory_space<vmem>>, vector<1x1x768xf32>,
    return
  }
  func.func @transform_0(%arg0: i32) -> (i32, i32, i32) {
    %c0_i32 = arith.constant 0 : i32
    %c0_i32_0 = arith.constant 0 : i32
    %c0_i32_1 = arith.constant 0 : i32
    return %arg0, %c0_i32, %c0_i32_0 : i32, i32, i32
  }
  func.func @transform_1(%arg0: i32) -> (i32, i32) {
    %c0_i32 = arith.constant 0 : i32
    %c0_i32_0 = arith.constant 0 : i32
    %c0_i32_1 = arith.constant 0 : i32
    return %c0_i32, %c0_i32_0 : i32, i32
  }
  func.func @transform_2(%arg0: i32) -> (i32, i32, i32) {
    %c0_i32 = arith.constant 0 : i32
    %c0_i32_0 = arith.constant 0 : i32
    %c0_i32_1 = arith.constant 0 : i32
    return %arg0, %c0_i32, %c0_i32_0 : i32, i32, i32
  }
}

</mosaic_0001>

<sc_bundles>
// kernel: kernel.4.cloned.1.call-start
scs
__scs_entry_jumppad:
0x0: {  	(pc) =	sbr.rel $0x88, $3  }
0x1: {  	(tag) =	ssettag $0x0;
	lr =	simm.s32 $0x1  }
0x2: {  	[smem:$0x3F9D] =	sst lr;
	_ =	strace $0xD0000000  }
0x3: {  	_ = 	snop  }
0x4: {  	_ = 	snop  }
0x5: {  	_ = 	snop  }
0x6: {  	_ = 	snop  }
0x7: {  	_ = 	snop  }
__scs_overlays_trampoline_lowered:
0x8: {  	[smem:$0x3FAC] =	sst s0  }
0x9: {  	[smem:$0x3FAD] =	sst s1  }
0xa: {  	[smem:$0x3FAE] =	sst s2  }
0xb: {  	[smem:$0x3FAF] =	sst s3  }
0xc: {  	[smem:$0x3FB0] =	sst s4  }
0xd: {  	[smem:$0x3FB1] =	sst s5  }
0xe: {  	[smem:$0x3FB2] =	sst s6  }
0xf: {  	[smem:$0x3FB3] =	sst s7  }
0x10: {  	[smem:$0x3FB4] =	sst s8  }
0x11: {  	[smem:$0x3FB5] =	sst s9;
	s0 =	simm.s32 @!p0 $0x0  }
0x12: {  	s1 =	sld [smem:$0x3F9B];
	s0 =	simm.s32 @p0 $0x1  }
0x13: {  	[smem:$0x3FB6] =	sst s0;
	s0 =	simm.s32 @!p1 $0x0  }
0x14: {  	s2 =	sld [smem:$0x3F9A];
	s0 =	simm.s32 @p1 $0x1  }
0x15: {  	[smem:$0x3FB7] =	sst s0;
	s0 =	simm.s32 @!p2 $0x0  }
0x16: {  	s3 =	sld [smem:$0x3FDB];
	s0 =	simm.s32 @p2 $0x1  }
0x17: {  	s4 =	simm.s32 $0x1BF5;
	[smem:$0x3FB9] =	sst s0  }
0x18: {  	s0 =	sld [smem:$0x3F9C];
	_ =	swait.ge [sflag:s4], $0x0  }
0x19: {  	s7 =	sld [smem:$0x3F9D]  }
0x1a: {  	s8 =	sadd.s32 $0xFFFFE003, lr  }
0x1b: {  	s9 =	sadd.s32 $0xFFFFFEF7, lr;
	s5 =	simm.s32 $0xFFFFFFFF;
	p2 =	slt.u32 s8, $0xFFFFF086  }
0x1c: {  	p1 =	slt.u32 s9, $0xF7A;
	s5 =	simm.s32 @!p2 $0x0  }
0x1d: {  	s5 =	simm.s32 @p1 $0x1;
	p0 =	seq.s32 s7, s2  }
0x1e: {  	s7 =	smul.u32 @!p0 $0xF7A, s2;
	p2 =	seq.s32 @!p0 s5, $0x0  }
0x1f: {  	s9 =	smul.u32 $0xF7A, s1;
	s8 =	simm.s32 @!p0 $0x1BF5;
	p2 =	por !p2, p0  }
0x20: {  	[sflag:s8] =	ssyncset.s32 @!p0 $0xFFFFF086;
	s6 =	sadd.s32 @!p0 s3, s7;
	s7 =	simm.s32 @!p0 $0x108  }
0x21: {  	s3 =	sadd.s32 s3, s9;
	s6 =	sadd.s32 @!p0 $0x88, s6;
	s7 =	simm.s32 @p2 $0x1082  }
0x22: {  	[simem:s7], [sflag:s8] =	dma.local @!p0 [hbm:s6], $0xF7A  }
0x23: {  	s9 =	sor.u32 $0xD0000000, s2;
	s6 =	simm.s32 $0x108;
	_ =	swait.ge @!p0 [sflag:s8], $0x0  }
0x24: {  	s3 =	sadd.s32 $0x88, s3;
	s6 =	simm.s32 @!p1 $0x1082;
	[sflag:s4] =	ssyncset.s32 $0xFFFFF086  }
0x25: {  	[simem:s6], [sflag:s4] =	dma.local [hbm:s3], $0xF7A  }
0x26: {  	[smem:$0x3F9D] =	sst s1;
	(tag) =	ssettag s2;
	_ =	strace s9  }
0x27: {  	s1 =	sld [smem:$0x3FAD]  }
0x28: {  	s2 =	sld [smem:$0x3FAE]  }
0x29: {  	s4 =	sld [smem:$0x3FB0]  }
0x2a: {  	p0 =	seq.s32 s5, $0x0;
	s5 =	sld [smem:$0x3FB1]  }
0x2b: {  	s6 =	sld [smem:$0x3FB2]  }
0x2c: {  	s7 =	sld [smem:$0x3FB3]  }
0x2d: {  	s3 =	simm.s32 $0x108;
	s8 =	sld [smem:$0x3FB4]  }
0x2e: {  	s3 =	simm.s32 @!p0 $0x1082;
	s9 =	sld [smem:$0x3FB5]  }
0x2f: {  	lr =	sadd.s32 s0, s3;
	s0 =	sld [smem:$0x3FAC]  }
0x30: {  	s3 =	sld [smem:$0x3FAF]  }
0x31: {  	[smem:$0x3FB8] =	sst s10  }
0x32: {  	s10 =	sld [smem:$0x3FB6];
	_ =	sdelay $0x3  }
0x33: {  	p0 =	seq.s32 s10, $0x1;
	s10 =	sld [smem:$0x3FB8];
	_ =	sdelay $0x3  }
0x34: {  	[smem:$0x3FB8] =	sst s10  }
0x35: {  	s10 =	sld [smem:$0x3FB7];
	_ =	sdelay $0x3  }
0x36: {  	p1 =	seq.s32 s10, $0x1;
	s10 =	sld [smem:$0x3FB8];
	_ =	sdelay $0x3  }
0x37: {  	[smem:$0x3FB8] =	sst s10  }
0x38: {  	s10 =	sld [smem:$0x3FB9]  }
0x39: {  	_ = 	snop;
	(pc) =	sbr.ind lr, $3  }
0x3a: {  	_ = 	snop  }
0x3b: {  	_ = 	snop  }
0x3c: {  	p2 =	seq.s32 s10, $0x1;
	s10 =	sld [smem:$0x3FB8]  }
0x3d: {  	_ =	shalt  }
0x3e: {  	_ =	shalt  }
0x3f: {  	_ =	shalt  }
0x40: {  	_ =	shalt  }
0x41: {  	_ =	shalt  }
0x42: {  	_ =	shalt  }
0x43: {  	_ =	shalt  }
0x44: {  	_ =	shalt  }
0x45: {  	_ =	shalt  }
0x46: {  	_ =	shalt  }
0x47: {  	_ =	shalt  }
0x48: {  	_ =	shalt  }
0x49: {  	_ =	shalt  }
0x4a: {  	_ =	shalt  }
0x4b: {  	_ =	shalt  }
0x4c: {  	_ =	shalt  }
0x4d: {  	_ =	shalt  }
0x4e: {  	_ =	shalt  }
0x4f: {  	_ =	shalt  }
0x50: {  	_ =	shalt  }
0x51: {  	_ =	shalt  }
0x52: {  	_ =	shalt  }
0x53: {  	_ =	shalt  }
0x54: {  	_ =	shalt  }
0x55: {  	_ =	shalt  }
0x56: {  	_ =	shalt  }
0x57: {  	_ =	shalt  }
0x58: {  	_ =	shalt  }
0x59: {  	_ =	shalt  }
0x5a: {  	_ =	shalt  }
0x5b: {  	_ =	shalt  }
0x5c: {  	_ =	shalt  }
0x5d: {  	_ =	shalt  }
0x5e: {  	_ =	shalt  }
0x5f: {  	_ =	shalt  }
0x60: {  	_ =	shalt  }
0x61: {  	_ =	shalt  }
0x62: {  	_ =	shalt  }
0x63: {  	_ =	shalt  }
0x64: {  	_ =	shalt  }
0x65: {  	_ =	shalt  }
0x66: {  	_ =	shalt  }
0x67: {  	_ =	shalt  }
0x68: {  	_ =	shalt  }
0x69: {  	_ =	shalt  }
0x6a: {  	_ =	shalt  }
0x6b: {  	_ =	shalt  }
0x6c: {  	_ =	shalt  }
0x6d: {  	_ =	shalt  }
0x6e: {  	_ =	shalt  }
0x6f: {  	_ =	shalt  }
0x70: {  	_ =	shalt  }
0x71: {  	_ =	shalt  }
0x72: {  	_ =	shalt  }
0x73: {  	_ =	shalt  }
0x74: {  	_ =	shalt  }
0x75: {  	_ =	shalt  }
0x76: {  	_ =	shalt  }
0x77: {  	_ =	shalt  }
0x78: {  	_ =	shalt  }
0x79: {  	_ =	shalt  }
0x7a: {  	_ =	shalt  }
0x7b: {  	_ =	shalt  }
0x7c: {  	_ =	shalt  }
0x7d: {  	_ =	shalt  }
0x7e: {  	_ =	shalt  }
0x7f: {  	_ =	shalt  }
0x80: {  	_ =	shalt  }
0x81: {  	_ =	shalt  }
0x82: {  	_ =	shalt  }
0x83: {  	_ =	shalt  }
0x84: {  	_ =	shalt  }
0x85: {  	_ =	shalt  }
0x86: {  	_ =	shalt  }
0x87: {  	_ =	shalt  }
.Lfunc_end0:
.L_simem_size_0:
called_computation_lowered:
.L_overlay_start_0:
0x88: {  	s2 =	sld [smem:$0x3FD9]  }
0x89: {  	s3 =	sld [smem:$0x3FFE];
	_ =	sdelay $0x1  }
0x8a: {  	s1 =	srdreg.scid  }
0x8b: {  	s0 =	sand.u32 $0x1, s1  }
0x8c: {  	s16 =	sshll.u32 s0, $0xA;
	s2 =	sadd.s32 s3, s2  }
0x8d: {  	s2 =	sadd.s32 s2, s16  }
0x8e: {  	[smem:$0x3FC4] =	sst s2  }
0x8f: {  	_ = 	snop  }
0x90: {  	(tm) =	ssettm $0x1  }
0x91: {  	s17 =	sld [smem:$0x3FFB];
	_ =	sdelay $0x3  }
0x92: {  	_ =	strace s17  }
0x93: {  	s2 =	sld [smem:$0x3FFC];
	_ =	sdelay $0x3  }
0x94: {  	_ =	strace s2  }
0x95: {  	s2 =	sld [smem:$0x3FFD];
	_ =	sdelay $0x3  }
0x96: {  	_ =	strace s2  }
0x97: {  	_ =	strace $0x8FFFFFFF  }
0x98: {  	s18 =	sld [smem:$0x3FDB];
	_ =	sdelay $0x1  }
0x99: {  	s19 =	simm.s32 $_scs_section_size  }
0x9a: {  	s4 =	simm.s32 $_size__tile_overlayer_lowered;
	s5 =	simm.s32 $_tile_overlayer_lowered  }
0x9b: {  	s22 =	simm.s32 $0x1BFF;
	s21 =	sshll.u32 s5, $0x1;
	s2 =	sadd.s32 s19, s18  }
0x9c: {  	s6 =	simm.s32 $0x0;
	s20 =	sshll.u32 s4, $0x1;
	s4 =	sadd.s32 s21, s2  }
0x9d: {  	[timem:s6], [sflag:s22] =	dma.local [hbm:s4], s20  }
0x9e: {  	_ =	swait.ge [sflag:s22], s20  }
0x9f: {  	s3 =	ssub.s32 $0x0, s20;
	[sflag:s22] =	ssyncset.done $0x0  }
0xa0: {  	[sflag:s22] =	ssyncadd.s32 s3;
	_ =	sdelay $0x1  }
0xa1: {  	s23 =	simm.s32 $0x1B8B  }
0xa2: {  	_ =	swait.ge [sflag:s23], $0x1  }
0xa3: {  	[sflag:s23] =	ssyncset.done $0x0  }
0xa4: {  	s25 =	simm.s32 $0x1B8E;
	s24 =	sld [smem:$0x3FFE];
	[sflag:s23] =	ssyncadd.s32 $0xFFFFFFFF  }
0xa5: {  	s26 =	simm.s32 $execute0_lowered;
	[smem:$0x3FD2] =	sst s25  }
0xa6: {  	s4 =	sshll.u32 s26, $0x1;
	_ =	strace $0x80000046;
	[dreg:$0x1] =	wrdreg $0xFFFFFFFF  }
0xa7: {  	s28 =	simm.s32 $_size_execute0_lowered;
	s2 =	sadd.s32 s2, s4;
	[dreg:$0x0] =	wrdreg $0x0  }
0xa8: {  	s4 =	sshll.u32 s28, $0x1;
	[dreg:$0x2] =	wrdreg s2  }
0xa9: {  	[dreg:$0x3] =	wrdreg s4  }
0xaa: {  	[dreg:$0x4] =	wrdreg $0xC0  }
0xab: {  	_ =	task [dreg:s6], $0x5FFFF  }
0xac: {  	[dreg:$0x1] =	wrdreg $0xFFFFFFFF  }
0xad: {  	[dreg:$0x0] =	wrdreg $0x60  }
0xae: {  	[dreg:$0x2] =	wrdreg s24  }
0xaf: {  	[dreg:$0x3] =	wrdreg $0x9  }
0xb0: {  	_ =	task.clear_ibuf [dreg:s6], $0x4FFFF;
	_ =	strace $0x90000046  }
0xb1: {  	s29 =	simm.s32 $0x9;
	_ =	strace $0x80000048  }
0xb2: {  	_ =	swait.ge [sflag:s29], $0x1  }
0xb3: {  	[sflag:s29] =	ssyncadd.s32 $0xFFFFFFFF  }
0xb4: {  	_ =	strace $0x90000048  }
0xb5: {  	_ =	sfence  }
0xb6: {  	s30 =	sld [smem:$0x0];
	_ =	sdelay $0x2  }
0xb7: {  	s31 =	sshll.u32 s1, $0xD;
	s1 =	sshrl.u32 s1, $0x2  }
0xb8: {  	s3 =	sand.u32 $0x4000, s31;
	s1 =	sadd.s32 s1, s30  }
0xb9: {  	s0 =	sor.u32 s3, s0;
	s1 =	sshll.u32 s1, $0x11  }
0xba: {  	s0 =	sor.u32 s1, s0  }
0xbb: {  	s0 =	sadd.s32 $0x8F2B, s0  }
0xbc: {  	[sflag:s0] =	ssyncadd.remote.s32 $0x1  }
0xbd: {  	_ =	sfence.sel $0xFFFF  }
0xbe: {  	[dreg:$0x0] =	wrdreg $0xFFFFFFFF;
	(pc) =	sbr.abs _section_cstart, $3  }
0xbf: {  	[dreg:$0x1] =	wrdreg $0xFFFFFFFF  }
0xc0: {  	_ =	task.clear_ibuf [dreg:s6], $0x2FFFF;
	_ =	strace $0x9FFFFFFF  }
0xc1: {  	(tm) =	ssettm $0x7FFFFFFF  }
tec
execute0_lowered:
.L_overlay_start_1:
0x0: {  	(tag) =	ssettag $0x1  }
0x1: {  	s1 =	srdreg.scid;
	s0 =	stileid.u32  }
0x2: {  	s2 =	rddreg [dreg:$0x0];
	s3 =	simm.s32 $0x0;
	s10 =	simm.s32 $0x6000  }
0x3: {  	s4 =	sand.u32 $0x1, s1;
	s5 =	sshll.u32 s0, $0x1;
	[smem:$0x7FF] =	sst s3  }
0x4: {  	s1 =	rddreg [dreg:$0x1];
	s11 =	sor.u32 s4, s5;
	_ =	strace $0x80000047  }
0x5: {  	s7 =	ssub.s32 $0x2, s4;
	s4 =	sadd.s32 $0xC00, s2;
	s5 =	smul.u32 $0x30, s11  }
0x6: {  	s8 =	smul.u32 $0xC00, s11;
	s9 =	sshrl.u32 s7, $0x1;
	p0 =	sne.s32 s11, $0x0  }
0x7: {  	s11 =	simm.s32 $0x0;
	s6 =	sadd.s32 s5, s2;
	s5 =	sadd.s32 $0xE00, s2  }
0x8: {  	s9 =	ssub.s32 s7, s9;
	s6 =	sadd.s32 $0x600, s6;
	s31 =	sadd.s32 s8, s5  }
0x9: {  	s8 =	smax.u32 s9, $0x1;
	s9 =	simm.s32 $0x1;
	s7 =	sadd.s32 $0x60, s31  }
.LBB2_1:
0xa: {  	s12 =	simm.s32 $0x30  }
0xb: {  	s15 =	sadd.s32 $0x0, s2;
	s13 =	simm.s32 $0x300;
	s14 =	simm.s32 $0x0  }
.LBB2_2:
0xc: {  	[tilespmem:s14], [sflag:$0x1] =	stream.linear.gather [hbm4b:s15+s3], $0x180, $0x38;
	[tilespmem:$0x6480] =	vst v63  }
0xd: {  	s15 =	smov.u32 s12;
	s14 =	smov.u32 s13;
	p1 =	sne.s32 s12, $0x5D0  }
.Ltmp0:
0xe: {  	s12 =	sadd.s32 $0x30, s12;
	(pc) =	sbr.rel @p1 .LBB2_2-.Ltmp0, $2  }
0xf: {  	_ =	sdelay $0x2  }
0x10: {  	s13 =	sadd.s32 $0x300, s13;
	s15 =	sadd.s32 s15, s2  }
0x11: {  	[tilespmem:s14], [sflag:$0x1] =	stream.linear.gather [hbm4b:s15+s3], $0x180, $0x38;
	[tilespmem:$0x6480] =	vst v63  }
0x12: {  	_ =	swait.ge [sflag:s9], $0x3000  }
0x13: {  	[sflag:s9] =	ssyncset.done $0x0  }
0x14: {  	[sflag:s9] =	ssyncadd.s32 $0xFFFFD000  }
0x15: {  	[tilespmem:s10], [sflag:$0x1] =	stream.linear.gather [hbm4b:s6+s3], $0x180, $0x38;
	[tilespmem:$0x6480] =	vst v63  }
0x16: {  	_ =	swait.ge [sflag:s9], $0x180  }
0x17: {  	[sflag:s9] =	ssyncset.done $0x0  }
0x18: {  	[sflag:s9] =	ssyncadd.s32 $0xFFFFFE80  }
0x19: {  	v0 =	vld [tilespmem:$0x6000]  }
0x1a: {  	v1 =	vld [tilespmem:$0x6010]  }
0x1b: {  	v2 =	vld [tilespmem:$0x6020]  }
0x1c: {  	v3 =	vld [tilespmem:$0x6030]  }
0x1d: {  	v4 =	vld [tilespmem:$0x6040]  }
0x1e: {  	v5 =	vld [tilespmem:$0x6050]  }
0x1f: {  	v6 =	vld [tilespmem:$0x6060]  }
0x20: {  	v7 =	vld [tilespmem:$0x6070]  }
0x21: {  	v8 =	vld [tilespmem:$0x6080]  }
0x22: {  	v9 =	vld [tilespmem:$0x6090]  }
0x23: {  	v10 =	vld [tilespmem:$0x60A0]  }
0x24: {  	v11 =	vld [tilespmem:$0x60B0]  }
0x25: {  	v12 =	vld [tilespmem:$0x60C0]  }
0x26: {  	v13 =	vld [tilespmem:$0x60D0]  }
0x27: {  	v14 =	vld [tilespmem:$0x60E0]  }
0x28: {  	v15 =	vld [tilespmem:$0x60F0]  }
0x29: {  	v16 =	vld [tilespmem:$0x6100]  }
0x2a: {  	v17 =	vld [tilespmem:$0x6110]  }
0x2b: {  	v18 =	vld [tilespmem:$0x6120]  }
0x2c: {  	v23 =	vld [tilespmem:$0x6170]  }
0x2d: {  	v19 =	vld [tilespmem:$0x6130]  }
0x2e: {  	v20 =	vld [tilespmem:$0x6140]  }
0x2f: {  	v21 =	vld [tilespmem:$0x6150]  }
0x30: {  	s12 =	simm.s32 $0x2F0;
	s13 =	simm.s32 $0x17C0;
	v22 =	vld [tilespmem:$0x6160]  }
.LBB2_4:
0x31: {  	p1 =	sne.s32 s13, $0x17FC0;
	[tilespmem:s12+$0x0] =	vst v23  }
0x32: {  	[tilespmem:s12+$0xFFFFFE90] =	vst v0  }
0x33: {  	[tilespmem:s12+$0xFFFFFEA0] =	vst v1  }
0x34: {  	[tilespmem:s12+$0xFFFFFEB0] =	vst v2  }
0x35: {  	[tilespmem:s12+$0xFFFFFEC0] =	vst v3  }
0x36: {  	[tilespmem:s12+$0xFFFFFED0] =	vst v4  }
0x37: {  	[tilespmem:s12+$0xFFFFFEE0] =	vst v5  }
0x38: {  	[tilespmem:s12+$0xFFFFFEF0] =	vst v6  }
0x39: {  	[tilespmem:s12+$0xFFFFFF00] =	vst v7  }
0x3a: {  	[tilespmem:s12+$0xFFFFFF10] =	vst v8  }
0x3b: {  	[tilespmem:s12+$0xFFFFFF20] =	vst v9  }
0x3c: {  	[tilespmem:s12+$0xFFFFFF30] =	vst v10  }
0x3d: {  	[tilespmem:s12+$0xFFFFFF40] =	vst v11  }
0x3e: {  	[tilespmem:s12+$0xFFFFFF50] =	vst v12  }
0x3f: {  	[tilespmem:s12+$0xFFFFFF60] =	vst v13  }
0x40: {  	[tilespmem:s12+$0xFFFFFF70] =	vst v14  }
0x41: {  	[tilespmem:s12+$0xFFFFFF80] =	vst v15  }
0x42: {  	[tilespmem:s12+$0xFFFFFF90] =	vst v16  }
0x43: {  	[tilespmem:s12+$0xFFFFFFA0] =	vst v17  }
.Ltmp1:
0x44: {  	[tilespmem:s12+$0xFFFFFFB0] =	vst v18;
	(pc) =	sbr.rel @p1 .LBB2_4-.Ltmp1, $4  }
0x45: {  	[tilespmem:s12+$0xFFFFFFC0] =	vst v19  }
0x46: {  	[tilespmem:s12+$0xFFFFFFD0] =	vst v20  }
0x47: {  	[tilespmem:s12+$0xFFFFFFE0] =	vst v21  }
0x48: {  	[tilespmem:s12+$0xFFFFFFF0] =	vst v22;
	s12 =	sshra.s32 s13, $0x2;
	s13 =	sadd.s32 $0xC00, s13  }
0x49: {  	[tilespmem:s12+$0x0] =	vst v23  }
0x4a: {  	[tilespmem:s12+$0xFFFFFE90] =	vst v0  }
0x4b: {  	[tilespmem:s12+$0xFFFFFEA0] =	vst v1  }
0x4c: {  	[tilespmem:s12+$0xFFFFFEB0] =	vst v2  }
0x4d: {  	[tilespmem:s12+$0xFFFFFEC0] =	vst v3  }
0x4e: {  	[tilespmem:s12+$0xFFFFFED0] =	vst v4  }
0x4f: {  	[tilespmem:s12+$0xFFFFFEE0] =	vst v5  }
0x50: {  	[tilespmem:s12+$0xFFFFFEF0] =	vst v6  }
0x51: {  	[tilespmem:s12+$0xFFFFFF00] =	vst v7  }
0x52: {  	[tilespmem:s12+$0xFFFFFF10] =	vst v8  }
0x53: {  	[tilespmem:s12+$0xFFFFFF20] =	vst v9  }
0x54: {  	[tilespmem:s12+$0xFFFFFF30] =	vst v10  }
0x55: {  	[tilespmem:s12+$0xFFFFFF40] =	vst v11  }
0x56: {  	[tilespmem:s12+$0xFFFFFF50] =	vst v12  }
0x57: {  	[tilespmem:s12+$0xFFFFFF60] =	vst v13  }
0x58: {  	[tilespmem:s12+$0xFFFFFF70] =	vst v14  }
0x59: {  	[tilespmem:s12+$0xFFFFFF80] =	vst v15  }
0x5a: {  	[tilespmem:s12+$0xFFFFFF90] =	vst v16  }
0x5b: {  	[tilespmem:s12+$0xFFFFFFA0] =	vst v17  }
0x5c: {  	[tilespmem:s12+$0xFFFFFFB0] =	vst v18  }
0x5d: {  	[tilespmem:s12+$0xFFFFFFC0] =	vst v19  }
0x5e: {  	[tilespmem:s12+$0xFFFFFFD0] =	vst v20  }
0x5f: {  	[tilespmem:s12+$0xFFFFFFE0] =	vst v21  }
0x60: {  	[tilespmem:s12+$0xFFFFFFF0] =	vst v22;
	s12 =	simm.s32 @!p0 $0x0;
	s13 =	simm.s32 @!p0 $0x6180;
	s14 =	simm.s32 @!p0 $0x1  }
0x61: {  	[tilespmem:s13], [sflag:$0x1] =	stream.linear.gather @!p0 [hbm4b:s4+s12], $0x300, $0x38;
	[tilespmem:$0x6480] =	vst v63  }
0x62: {  	_ =	swait.ge @!p0 [sflag:s14], $0x300  }
0x63: {  	[sflag:s14] =	ssyncset.done @!p0 $0x0  }
0x64: {  	[sflag:s14] =	ssyncadd.s32 @!p0 $0xFFFFFD00  }
0x65: {  	[hbm4b:s5+s12] =	stream.linear.scatter @!p0 [tilespmem:s13], [sflag:$0x1], $0x300, $0x38;
	[tilespmem:$0x6480] =	vst v63  }
0x66: {  	s11 =	sadd.s32 $0x1, s11;
	_ =	swait.ge @!p0 [sflag:s14], $0x300  }
0x67: {  	p1 =	sne.s32 s11, s8;
	[sflag:s14] =	ssyncset.done @!p0 $0x0  }
.Ltmp2:
0x68: {  	[sflag:s14] =	ssyncadd.s32 @!p0 $0xFFFFFD00;
	(pc) =	sbr.rel @p1 .LBB2_1-.Ltmp2, $4  }
0x69: {  	[hbm4b:s7+s3] =	stream.linear.scatter [tilespmem:s3], [sflag:$0x1], $0x6000, $0x38;
	[tilespmem:$0x6480] =	vst v63  }
0x6a: {  	_ =	swait.ge [sflag:s9], $0x6000  }
0x6b: {  	[sflag:s9] =	ssyncset.done $0x0  }
0x6c: {  	[sflag:s9] =	ssyncadd.s32 $0xFFFFA000  }
0x6d: {  	_ =	sfence.sel $0x180000  }
0x6e: {  	[bflag:$0x0] =	sbarrier.arrive $0xFFFF  }
0x6f: {  	p0 =	sne.s32 s0, $0x0;
	_ =	strace $0x90000047  }
0x70: {  	s0 =	sadd.s32 @!p0 $0x100000, s1;
	[bflag:$0x2] =	sbarrier.arrive $0xFFFF  }
0x71: {  	[sflag:s0] =	ssyncadd.tile.s32 @!p0 $0x1;
	_ =	shalt  }
.Lfunc_end2:
_tile_overlayer_lowered:
.L_overlay_start_2:
0x72: {  	(tag) =	ssettag $0x2  }
0x73: {  	s0 =	rddreg [dreg:$0x0];
	s2 =	stileid.u32  }
0x74: {  	s1 =	rddreg [dreg:$0x1];
	p0 =	sne.s32 s2, $0x0  }
0x75: {  	s3 =	rddreg [dreg:$0x2];
	[bflag:$0x3] =	sbarrier.arrive $0xFFFF;
	s2 =	simm.s32 @!p0 $0x1C01  }
0x76: {  	[timem:s3], [sflag:s2] =	dma.local @!p0 [hbm:s0], s1  }
0x77: {  	s0 =	simm.s32 @!p0 $0x1  }
0x78: {  	_ =	swait.ge @!p0 [sflag:s0], s1  }
0x79: {  	s1 =	ssub.s32 @!p0 $0x0, s1;
	[sflag:s0] =	ssyncset.done @!p0 $0x0  }
0x7a: {  	[sflag:s0] =	ssyncadd.s32 @!p0 s1  }
0x7b: {  	[bflag:$0x3] =	sbarrier.arrive $0xFFFF  }
0x7c: {  	_ =	shalt  }

</sc_bundles>
